<compile_context>
chip_gen: v7x
topology: tpu7x:2x2x1
jax: 0.10.2.dev20260603
libtpu: 0.0.44.dev20260713+nightly
codegen_flags: <defaults>
</compile_context>

<pallas_src>
import jax
import jax.numpy as jnp
from jax import lax
from jax.experimental import pallas as pl
from jax.experimental.pallas import tpu as pltpu
from jax.experimental.pallas import tpu_sc as plsc

_NUM_CORES = 1
_NUM_SUBCORES = 16
_NW = _NUM_CORES * _NUM_SUBCORES
_L = 16


def _sc_gather_body(idx_hbm, w_hbm, out_hbm, idx_v, out_v, w_v):
    rows, fi = idx_v.shape
    wid = lax.axis_index("s") * _NUM_CORES + lax.axis_index("c")
    base = wid * rows
    pltpu.sync_copy(w_hbm, w_v)
    pltpu.sync_copy(idx_hbm.at[pl.ds(base, rows), pl.ds(0, fi)], idx_v)

    n_vecs = fi // _L

    @plsc.parallel_loop(0, rows * n_vecs, unroll=8)
    def _(c):
        r = c // n_vecs
        col = (c % n_vecs) * _L
        idx = idx_v[r, pl.ds(col, _L)]
        out_v[r, pl.ds(col, _L)] = plsc.load_gather(w_v, [idx])

    pltpu.sync_copy(out_v, out_hbm.at[pl.ds(base, rows)])


def _tc_matmul_body(a_ref, weff_ref, hb_ref, w_ref, out_ref):
    acc = lax.dot_general(
        a_ref[...], weff_ref[...],
        dimension_numbers=(((1,), (1,)), ((), ())),
        preferred_element_type=jnp.float32,
    )
    wb = jnp.broadcast_to(w_ref[0, :], (hb_ref.shape[0], w_ref.shape[1]))
    bias = jnp.take_along_axis(wb, hb_ref[...], axis=1)[:, 0]
    out_ref[...] = acc + bias[None, :]


def kernel(a, hash_idx, W):
    B, FI = a.shape
    FO = hash_idx.shape[0]
    K = W.shape[0]
    rows_per = FO // _NW

    hash_bias = hash_idx[:, FI:]

    sc_gather = pl.kernel(
        _sc_gather_body,
        out_type=jax.ShapeDtypeStruct((FO, FI), jnp.float32),
        mesh=plsc.VectorSubcoreMesh(
            core_axis_name="c", subcore_axis_name="s", num_cores=1),
        compiler_params=pltpu.CompilerParams(needs_layout_passes=False),
        scratch_types=[
            pltpu.VMEM((rows_per, FI), jnp.int32),
            pltpu.VMEM((rows_per, FI), jnp.float32),
            pltpu.VMEM((K,), jnp.float32),
        ],
    )
    weff = sc_gather(hash_idx, W)

    return pl.pallas_call(
        _tc_matmul_body,
        out_shape=jax.ShapeDtypeStruct((B, FO), jnp.float32),
    )(a, weff, hash_bias, W.reshape(1, K))

# --- scband reference (transcript-rebuilt; emitter-appended) ---
"""Pipeline reference for scband-hashed-layer-39487929319938 (READ-ONLY COPY).

The authoritative reference and input builder live on the scoring server;
editing this copy changes nothing except your own understanding.
"""

import jax, jax.numpy as jnp
import numpy as np

FAN_IN = 1024
FAN_OUT = 256
K = 128
B = 1024


def setup_inputs(seed: int = 0) -> dict:
    key = jax.random.key(seed)
    k1, k2, k3 = jax.random.split(key, 3)
    a = jax.random.normal(k1, (B, FAN_IN), dtype=jnp.float32)
    # Hash table H(i, j) -> bucket in [0, K). The original uses xxh32 with a
    # random salt; a uniform random int table is the faithful equivalent mapping.
    hash_idx = jax.random.randint(k2, (FAN_OUT, FAN_IN + 1), 0, K, dtype=jnp.int32)
    d = FAN_OUT * (FAN_IN + 1) / K
    W = jax.random.normal(k3, (K,), dtype=jnp.float32) / d
    return {"a": a, "hash_idx": hash_idx, "W": W}


def reference(a, hash_idx, W):
    # append bias column of ones (fan_in += 1 in __init__)
    ones = jnp.ones((a.shape[0], 1), dtype=a.dtype)
    a_aug = jnp.concatenate([a, ones], axis=1)  # [B, fan_in+1]
    at = a_aug.T  # [fan_in+1, B]

    # a_kj[i, k, b] = sum_{j : H(i, j) == k} a_aug[b, j]
    def per_out(h_row):
        return jax.ops.segment_sum(at, h_row, num_segments=K)  # [K, B]

    a_kj = jax.vmap(per_out)(hash_idx)  # [fan_out, K, B]
    # zz[i, b] = sum_k a_kj[i, k, b] * W[k]
    zz = jnp.einsum('ikb,k->ib', a_kj, W)  # [fan_out, B]
    return zz.T  # [B, fan_out]

if __name__ == "__main__":
    import jax
    _d = setup_inputs()
    print(jax.jit(kernel)(*tuple(_d.values())))

</pallas_src>

<mosaic_0001>
#map = affine_map<(d0, d1) -> (0, 0)>
#map1 = affine_map<(d0, d1) -> (0)>
module attributes {stable_mosaic.version = 14 : i64} {
  func.func @_sc_gather_body(%arg0: i32, %arg1: i32, %arg2: memref<256x1025xi32, #tpu.memory_space<hbm>>, %arg3: memref<128xf32, #tpu.memory_space<hbm>>, %arg4: memref<256x1024xf32, #tpu.memory_space<hbm>>, %arg5: memref<16x1024xi32, #tpu.memory_space<vmem>>, %arg6: memref<16x1024xf32, #tpu.memory_space<vmem>>, %arg7: memref<128xf32, #tpu.memory_space<vmem>>) attributes {dimension_semantics = [#tpu.dimension_semantics<core_parallel>, #tpu.dimension_semantics<subcore_parallel>], iteration_bounds = array<i64: 1, 16>, scalar_prefetch = 0 : i64, scratch_operands = 3 : i64, tpu.core_type = #tpu.core_type<sc_vector_subcore>, window_params = [{transform_indices = #map}, {transform_indices = #map1}, {transform_indices = #map}]} {
    %mul3A = arith.constant 1 : i32
    %mul3A_0 = arith.muli %arg1, %mul3A : i32
    %add3A = arith.addi %mul3A_0, %arg0 : i32
    %mul3A_1 = arith.constant 16 : i32
    %mul3A_2 = arith.muli %add3A, %mul3A_1 : i32
    "tpu.region"() ({
      %run_scoped3A = tpu.sem_alloc : memref<!tpu.dma_semaphore, #tpu.memory_space<semaphore_mem>>
      tpu.enqueue_dma source(%arg3 : memref<128xf32, #tpu.memory_space<hbm>>) target(%arg7 : memref<128xf32, #tpu.memory_space<vmem>>) target_semaphore(%run_scoped3A : memref<!tpu.dma_semaphore, #tpu.memory_space<semaphore_mem>>)
      tpu.wait_dma2 semaphore(%run_scoped3A : memref<!tpu.dma_semaphore, #tpu.memory_space<semaphore_mem>>) src(%arg3 : memref<128xf32, #tpu.memory_space<hbm>>) dst(%arg7 : memref<128xf32, #tpu.memory_space<vmem>>)
      tpu.yield
    }) : () -> ()
    "tpu.region"() ({
      %run_scoped3A = tpu.sem_alloc : memref<!tpu.dma_semaphore, #tpu.memory_space<semaphore_mem>>
      %dma_start3A = arith.constant 0 : i32
      %dma_start3A_5 = tpu.memref_slice %arg2[%mul3A_2, %dma_start3A] : memref<256x1025xi32, #tpu.memory_space<hbm>> -> memref<16x1024xi32, #tpu.memory_space<hbm>>
      %dma_start3A_6 = arith.constant 0 : i32
      %dma_start3A_7 = tpu.memref_slice %arg2[%mul3A_2, %dma_start3A_6] : memref<256x1025xi32, #tpu.memory_space<hbm>> -> memref<16x1024xi32, #tpu.memory_space<hbm>>
      tpu.enqueue_dma source(%dma_start3A_7 : memref<16x1024xi32, #tpu.memory_space<hbm>>) target(%arg5 : memref<16x1024xi32, #tpu.memory_space<vmem>>) target_semaphore(%run_scoped3A : memref<!tpu.dma_semaphore, #tpu.memory_space<semaphore_mem>>)
      %dma_wait3A = arith.constant 0 : i32
      %dma_wait3A_8 = tpu.memref_slice %arg2[%mul3A_2, %dma_wait3A] : memref<256x1025xi32, #tpu.memory_space<hbm>> -> memref<16x1024xi32, #tpu.memory_space<hbm>>
      %dma_wait3A_9 = arith.constant 0 : i32
      %dma_wait3A_10 = tpu.memref_slice %arg2[%mul3A_2, %dma_wait3A_9] : memref<256x1025xi32, #tpu.memory_space<hbm>> -> memref<16x1024xi32, #tpu.memory_space<hbm>>
      tpu.wait_dma2 semaphore(%run_scoped3A : memref<!tpu.dma_semaphore, #tpu.memory_space<semaphore_mem>>) src(%dma_wait3A_10 : memref<16x1024xi32, #tpu.memory_space<hbm>>) dst(%arg5 : memref<16x1024xi32, #tpu.memory_space<vmem>>)
      tpu.yield
    }) : () -> ()
    %parallel_loop3A = arith.constant 0 : i32
    %parallel_loop3A_3 = arith.constant 1024 : i32
    %parallel_loop3A_4 = arith.constant 1 : i32
    scf.for %parallel_loop3A_5 = %parallel_loop3A to %parallel_loop3A_3 step %parallel_loop3A_4  : i32 {
      %parallel_loop3A_6 = arith.constant 64 : i32
      %parallel_loop3A_7 = arith.divsi %parallel_loop3A_5, %parallel_loop3A_6 : i32
      %parallel_loop3A_8 = arith.constant 0 : i32
      %parallel_loop3A_9 = arith.cmpi sgt, %parallel_loop3A_5, %parallel_loop3A_8 : i32
      %parallel_loop3A_10 = arith.extui %parallel_loop3A_9 : i1 to i32
      %parallel_loop3A_11 = arith.constant 0 : i32
      %parallel_loop3A_12 = arith.cmpi slt, %parallel_loop3A_5, %parallel_loop3A_11 : i32
      %parallel_loop3A_13 = arith.extui %parallel_loop3A_12 : i1 to i32
      %parallel_loop3A_14 = arith.subi %parallel_loop3A_10, %parallel_loop3A_13 : i32
      %parallel_loop3A_15 = arith.constant 0 : i32
      %parallel_loop3A_16 = arith.cmpi sgt, %parallel_loop3A_6, %parallel_loop3A_15 : i32
      %parallel_loop3A_17 = arith.extui %parallel_loop3A_16 : i1 to i32
      %parallel_loop3A_18 = arith.constant 0 : i32
      %parallel_loop3A_19 = arith.cmpi slt, %parallel_loop3A_6, %parallel_loop3A_18 : i32
      %parallel_loop3A_20 = arith.extui %parallel_loop3A_19 : i1 to i32
      %parallel_loop3A_21 = arith.subi %parallel_loop3A_17, %parallel_loop3A_20 : i32
      %parallel_loop3A_22 = arith.cmpi ne, %parallel_loop3A_14, %parallel_loop3A_21 : i32
      %parallel_loop3A_23 = arith.remsi %parallel_loop3A_5, %parallel_loop3A_6 : i32
      %parallel_loop3A_24 = arith.constant 0 : i32
      %parallel_loop3A_25 = arith.cmpi ne, %parallel_loop3A_23, %parallel_loop3A_24 : i32
      %parallel_loop3A_26 = arith.andi %parallel_loop3A_22, %parallel_loop3A_25 : i1
      %parallel_loop3A_27 = arith.constant 1 : i32
      %parallel_loop3A_28 = arith.subi %parallel_loop3A_7, %parallel_loop3A_27 : i32
      %parallel_loop3A_29 = arith.select %parallel_loop3A_26, %parallel_loop3A_28, %parallel_loop3A_7 : i32
      %parallel_loop3A_30 = arith.constant 64 : i32
      %parallel_loop3A_31 = arith.constant 0 : i32
      %parallel_loop3A_32 = arith.cmpi eq, %parallel_loop3A_30, %parallel_loop3A_31 : i32
      %parallel_loop3A_33 = arith.constant 1 : i32
      %parallel_loop3A_34 = arith.select %parallel_loop3A_32, %parallel_loop3A_33, %parallel_loop3A_30 : i32
      %parallel_loop3A_35 = arith.remsi %parallel_loop3A_5, %parallel_loop3A_34 : i32
      %parallel_loop3A_36 = arith.constant 0 : i32
      %parallel_loop3A_37 = arith.cmpi ne, %parallel_loop3A_35, %parallel_loop3A_36 : i32
      %parallel_loop3A_38 = arith.constant 0 : i32
      %parallel_loop3A_39 = arith.cmpi slt, %parallel_loop3A_35, %parallel_loop3A_38 : i32
      %parallel_loop3A_40 = arith.constant 0 : i32
      %parallel_loop3A_41 = arith.cmpi slt, %parallel_loop3A_34, %parallel_loop3A_40 : i32
      %parallel_loop3A_42 = arith.xori %parallel_loop3A_39, %parallel_loop3A_41 : i1
      %parallel_loop3A_43 = arith.andi %parallel_loop3A_42, %parallel_loop3A_37 : i1
      %parallel_loop3A_44 = arith.addi %parallel_loop3A_35, %parallel_loop3A_34 : i32
      %parallel_loop3A_45 = arith.select %parallel_loop3A_43, %parallel_loop3A_44, %parallel_loop3A_35 : i32
      %parallel_loop3A_46 = arith.constant 16 : i32
      %parallel_loop3A_47 = arith.muli %parallel_loop3A_45, %parallel_loop3A_46 : i32
      %parallel_loop3A_48 = arith.index_cast %parallel_loop3A_29 : i32 to index
      %parallel_loop3A_49 = arith.index_cast %parallel_loop3A_47 : i32 to index
      %parallel_loop3A_50 = tpu.vector_load %arg5[%parallel_loop3A_48, %parallel_loop3A_49] {strides = array<i32>} : memref<16x1024xi32, #tpu.memory_space<vmem>>, vector<16xi32>,
      %parallel_loop3A_51 = tpu.vector_load_idx %arg7[%parallel_loop3A_50] : memref<128xf32, #tpu.memory_space<vmem>>[vector<16xi32>], vector<16xf32>,
      %parallel_loop3A_52 = arith.index_cast %parallel_loop3A_29 : i32 to index
      %parallel_loop3A_53 = arith.index_cast %parallel_loop3A_47 : i32 to index
      %parallel_loop3A_54 = tpu.vector_load %arg6[%parallel_loop3A_52, %parallel_loop3A_53] {strides = array<i32>} : memref<16x1024xf32, #tpu.memory_space<vmem>>, vector<16xf32>,
      tpu.vector_store %arg6[%parallel_loop3A_52, %parallel_loop3A_53], %parallel_loop3A_51 {strides = array<i32>} : memref<16x1024xf32, #tpu.memory_space<vmem>>, vector<16xf32>,
    } {sc.loop_unroll_factor = 8 : i64, sc.parallel_access}
    "tpu.region"() ({
      %run_scoped3A = tpu.sem_alloc : memref<!tpu.dma_semaphore, #tpu.memory_space<semaphore_mem>>
      %dma_start3A = arith.constant 0 : i32
      %dma_start3A_5 = tpu.memref_slice %arg4[%mul3A_2, %dma_start3A] : memref<256x1024xf32, #tpu.memory_space<hbm>> -> memref<16x1024xf32, #tpu.memory_space<hbm>>
      %dma_start3A_6 = arith.constant 0 : i32
      %dma_start3A_7 = tpu.memref_slice %arg4[%mul3A_2, %dma_start3A_6] : memref<256x1024xf32, #tpu.memory_space<hbm>> -> memref<16x1024xf32, #tpu.memory_space<hbm>>
      tpu.enqueue_dma source(%arg6 : memref<16x1024xf32, #tpu.memory_space<vmem>>) target(%dma_start3A_7 : memref<16x1024xf32, #tpu.memory_space<hbm>>) target_semaphore(%run_scoped3A : memref<!tpu.dma_semaphore, #tpu.memory_space<semaphore_mem>>)
      %dma_wait3A = arith.constant 0 : i32
      %dma_wait3A_8 = tpu.memref_slice %arg4[%mul3A_2, %dma_wait3A] : memref<256x1024xf32, #tpu.memory_space<hbm>> -> memref<16x1024xf32, #tpu.memory_space<hbm>>
      %dma_wait3A_9 = arith.constant 0 : i32
      %dma_wait3A_10 = tpu.memref_slice %arg4[%mul3A_2, %dma_wait3A_9] : memref<256x1024xf32, #tpu.memory_space<hbm>> -> memref<16x1024xf32, #tpu.memory_space<hbm>>
      tpu.wait_dma2 semaphore(%run_scoped3A : memref<!tpu.dma_semaphore, #tpu.memory_space<semaphore_mem>>) src(%arg6 : memref<16x1024xf32, #tpu.memory_space<vmem>>) dst(%dma_wait3A_10 : memref<16x1024xf32, #tpu.memory_space<hbm>>)
      tpu.yield
    }) : () -> ()
    return
  }
}

module attributes {stable_mosaic.version = 14 : i64} {
  func.func @_tc_matmul_body(%arg0: memref<1024x1024xf32, #tpu.memory_space<vmem>>, %arg1: memref<256x1024xf32, #tpu.memory_space<vmem>>, %arg2: memref<256x1xi32, #tpu.memory_space<vmem>>, %arg3: memref<1x128xf32, #tpu.memory_space<vmem>>, %arg4: memref<1024x256xf32, #tpu.memory_space<vmem>>) attributes {dimension_semantics = [], scalar_prefetch = 0 : i64, scratch_operands = 0 : i64, tpu.core_type = #tpu.core_type<tc>} {
    %get3A = arith.constant 0 : index
    %get3A_0 = arith.constant 0 : index
    %get3A_1 = vector.load %arg0[%get3A, %get3A_0] : memref<1024x1024xf32, #tpu.memory_space<vmem>>, vector<1024x1024xf32>
    %get3A_2 = arith.constant 0 : index
    %get3A_3 = arith.constant 0 : index
    %get3A_4 = vector.load %arg1[%get3A_2, %get3A_3] : memref<256x1024xf32, #tpu.memory_space<vmem>>, vector<256x1024xf32>
    %dot_general3A = arith.constant dense<0.000000e+00> : vector<1024x256xf32>
    %dot_general3A_5 = tpu.matmul %get3A_1, %get3A_4, %dot_general3A {dimension_numbers = #tpu.dot_dimension_numbers<[1], [1], [0], [0], [0, 0, 1, 0], [], []>, transpose_lhs_hint = false} : vector<1024x1024xf32>, vector<256x1024xf32>, vector<1024x256xf32> -> vector<1024x256xf32>
    %get3A_6 = arith.constant 0 : index
    %get3A_7 = arith.constant 0 : index
    %get3A_8 = vector.load %arg3[%get3A_6, %get3A_7] : memref<1x128xf32, #tpu.memory_space<vmem>>, vector<1x128xf32>
    %get3A_9 = vector.shape_cast %get3A_8 : vector<1x128xf32> to vector<128xf32>
    %broadcast_in_dim3A = vector.shape_cast %get3A_9 : vector<128xf32> to vector<1x128xf32>
    %broadcast_in_dim3A_10 = vector.broadcast %broadcast_in_dim3A : vector<1x128xf32> to vector<256x128xf32>
    %get3A_11 = arith.constant 0 : index
    %get3A_12 = arith.constant 0 : index
    %get3A_13 = vector.load %arg2[%get3A_11, %get3A_12] : memref<256x1xi32, #tpu.memory_space<vmem>>, vector<256x1xi32>
    %lt3A = arith.constant 0 : i32
    %lt3A_14 = vector.broadcast %lt3A : i32 to vector<256x1xi32>
    %lt3A_15 = arith.cmpi slt, %get3A_13, %lt3A_14 : vector<256x1xi32>
    %add3A = arith.constant 128 : i32
    %add3A_16 = vector.broadcast %add3A : i32 to vector<256x1xi32>
    %add3A_17 = arith.addi %get3A_13, %add3A_16 : vector<256x1xi32>
    %select_n3A = arith.select %lt3A_15, %add3A_17, %get3A_13 : vector<256x1xi1>, vector<256x1xi32>
    %reshape3A = vector.shape_cast %select_n3A : vector<256x1xi32> to vector<256x1x1xi32>
    %gather3A = vector.shape_cast %reshape3A : vector<256x1x1xi32> to vector<256x1xi32>
    %gather3A_18 = tpu.dynamic_gather %broadcast_in_dim3A_10[%gather3A] in [1] : vector<256x128xf32>, vector<256x1xi32> -> vector<256x1xf32>
    %squeeze3A = vector.shape_cast %gather3A_18 : vector<256x1xf32> to vector<256xf32>
    %broadcast_in_dim3A_19 = vector.shape_cast %squeeze3A : vector<256xf32> to vector<1x256xf32>
    %add3A_20 = vector.broadcast %broadcast_in_dim3A_19 : vector<1x256xf32> to vector<1024x256xf32>
    %add3A_21 = arith.addf %dot_general3A_5, %add3A_20 : vector<1024x256xf32>
    %swap3A = arith.constant 0 : index
    %swap3A_22 = arith.constant 0 : index
    %swap3A_23 = vector.load %arg4[%swap3A, %swap3A_22] : memref<1024x256xf32, #tpu.memory_space<vmem>>, vector<1024x256xf32>
    tpu.vector_store %arg4[%swap3A, %swap3A_22], %add3A_21 {strides = array<i32>} : memref<1024x256xf32, #tpu.memory_space<vmem>>, vector<1024x256xf32>,
    return
  }
}

</mosaic_0001>

<sc_bundles>
// kernel: kernel.4.cloned.1.call-start
scs
__scs_entry_jumppad:
0x0: {  	(pc) =	sbr.rel $0x88, $3  }
0x1: {  	(tag) =	ssettag $0x0;
	lr =	simm.s32 $0x1  }
0x2: {  	[smem:$0x3F9E] =	sst lr;
	_ =	strace $0xD0000000  }
0x3: {  	_ = 	snop  }
0x4: {  	_ = 	snop  }
0x5: {  	_ = 	snop  }
0x6: {  	_ = 	snop  }
0x7: {  	_ = 	snop  }
__scs_overlays_trampoline_lowered:
0x8: {  	[smem:$0x3FAD] =	sst s0  }
0x9: {  	[smem:$0x3FAE] =	sst s1  }
0xa: {  	[smem:$0x3FAF] =	sst s2  }
0xb: {  	[smem:$0x3FB0] =	sst s3  }
0xc: {  	[smem:$0x3FB1] =	sst s4  }
0xd: {  	[smem:$0x3FB2] =	sst s5  }
0xe: {  	[smem:$0x3FB3] =	sst s6  }
0xf: {  	[smem:$0x3FB4] =	sst s7  }
0x10: {  	[smem:$0x3FB5] =	sst s8  }
0x11: {  	[smem:$0x3FB6] =	sst s9;
	s0 =	simm.s32 @!p0 $0x0  }
0x12: {  	s1 =	sld [smem:$0x3F9C];
	s0 =	simm.s32 @p0 $0x1  }
0x13: {  	[smem:$0x3FB7] =	sst s0;
	s0 =	simm.s32 @!p1 $0x0  }
0x14: {  	s2 =	sld [smem:$0x3F9B];
	s0 =	simm.s32 @p1 $0x1  }
0x15: {  	[smem:$0x3FB8] =	sst s0;
	s0 =	simm.s32 @!p2 $0x0  }
0x16: {  	s3 =	sld [smem:$0x3FDB];
	s0 =	simm.s32 @p2 $0x1  }
0x17: {  	s4 =	simm.s32 $0x1BF5;
	[smem:$0x3FBA] =	sst s0  }
0x18: {  	s0 =	sld [smem:$0x3F9D];
	_ =	swait.ge [sflag:s4], $0x0  }
0x19: {  	s7 =	sld [smem:$0x3F9E]  }
0x1a: {  	s8 =	sadd.s32 $0xFFFFE003, lr  }
0x1b: {  	s9 =	sadd.s32 $0xFFFFFEF7, lr;
	s5 =	simm.s32 $0xFFFFFFFF;
	p2 =	slt.u32 s8, $0xFFFFF086  }
0x1c: {  	p1 =	slt.u32 s9, $0xF7A;
	s5 =	simm.s32 @!p2 $0x0  }
0x1d: {  	s5 =	simm.s32 @p1 $0x1;
	p0 =	seq.s32 s7, s2  }
0x1e: {  	s7 =	smul.u32 @!p0 $0xF7A, s2;
	p2 =	seq.s32 @!p0 s5, $0x0  }
0x1f: {  	s9 =	smul.u32 $0xF7A, s1;
	s8 =	simm.s32 @!p0 $0x1BF5;
	p2 =	por !p2, p0  }
0x20: {  	[sflag:s8] =	ssyncset.s32 @!p0 $0xFFFFF086;
	s6 =	sadd.s32 @!p0 s3, s7;
	s7 =	simm.s32 @!p0 $0x108  }
0x21: {  	s3 =	sadd.s32 s3, s9;
	s6 =	sadd.s32 @!p0 $0x88, s6;
	s7 =	simm.s32 @p2 $0x1082  }
0x22: {  	[simem:s7], [sflag:s8] =	dma.local @!p0 [hbm:s6], $0xF7A  }
0x23: {  	s9 =	sor.u32 $0xD0000000, s2;
	s6 =	simm.s32 $0x108;
	_ =	swait.ge @!p0 [sflag:s8], $0x0  }
0x24: {  	s3 =	sadd.s32 $0x88, s3;
	s6 =	simm.s32 @!p1 $0x1082;
	[sflag:s4] =	ssyncset.s32 $0xFFFFF086  }
0x25: {  	[simem:s6], [sflag:s4] =	dma.local [hbm:s3], $0xF7A  }
0x26: {  	[smem:$0x3F9E] =	sst s1;
	(tag) =	ssettag s2;
	_ =	strace s9  }
0x27: {  	s1 =	sld [smem:$0x3FAE]  }
0x28: {  	s2 =	sld [smem:$0x3FAF]  }
0x29: {  	s4 =	sld [smem:$0x3FB1]  }
0x2a: {  	p0 =	seq.s32 s5, $0x0;
	s5 =	sld [smem:$0x3FB2]  }
0x2b: {  	s6 =	sld [smem:$0x3FB3]  }
0x2c: {  	s7 =	sld [smem:$0x3FB4]  }
0x2d: {  	s3 =	simm.s32 $0x108;
	s8 =	sld [smem:$0x3FB5]  }
0x2e: {  	s3 =	simm.s32 @!p0 $0x1082;
	s9 =	sld [smem:$0x3FB6]  }
0x2f: {  	lr =	sadd.s32 s0, s3;
	s0 =	sld [smem:$0x3FAD]  }
0x30: {  	s3 =	sld [smem:$0x3FB0]  }
0x31: {  	[smem:$0x3FB9] =	sst s10  }
0x32: {  	s10 =	sld [smem:$0x3FB7];
	_ =	sdelay $0x3  }
0x33: {  	p0 =	seq.s32 s10, $0x1;
	s10 =	sld [smem:$0x3FB9];
	_ =	sdelay $0x3  }
0x34: {  	[smem:$0x3FB9] =	sst s10  }
0x35: {  	s10 =	sld [smem:$0x3FB8];
	_ =	sdelay $0x3  }
0x36: {  	p1 =	seq.s32 s10, $0x1;
	s10 =	sld [smem:$0x3FB9];
	_ =	sdelay $0x3  }
0x37: {  	[smem:$0x3FB9] =	sst s10  }
0x38: {  	s10 =	sld [smem:$0x3FBA]  }
0x39: {  	_ = 	snop;
	(pc) =	sbr.ind lr, $3  }
0x3a: {  	_ = 	snop  }
0x3b: {  	_ = 	snop  }
0x3c: {  	p2 =	seq.s32 s10, $0x1;
	s10 =	sld [smem:$0x3FB9]  }
0x3d: {  	_ =	shalt  }
0x3e: {  	_ =	shalt  }
0x3f: {  	_ =	shalt  }
0x40: {  	_ =	shalt  }
0x41: {  	_ =	shalt  }
0x42: {  	_ =	shalt  }
0x43: {  	_ =	shalt  }
0x44: {  	_ =	shalt  }
0x45: {  	_ =	shalt  }
0x46: {  	_ =	shalt  }
0x47: {  	_ =	shalt  }
0x48: {  	_ =	shalt  }
0x49: {  	_ =	shalt  }
0x4a: {  	_ =	shalt  }
0x4b: {  	_ =	shalt  }
0x4c: {  	_ =	shalt  }
0x4d: {  	_ =	shalt  }
0x4e: {  	_ =	shalt  }
0x4f: {  	_ =	shalt  }
0x50: {  	_ =	shalt  }
0x51: {  	_ =	shalt  }
0x52: {  	_ =	shalt  }
0x53: {  	_ =	shalt  }
0x54: {  	_ =	shalt  }
0x55: {  	_ =	shalt  }
0x56: {  	_ =	shalt  }
0x57: {  	_ =	shalt  }
0x58: {  	_ =	shalt  }
0x59: {  	_ =	shalt  }
0x5a: {  	_ =	shalt  }
0x5b: {  	_ =	shalt  }
0x5c: {  	_ =	shalt  }
0x5d: {  	_ =	shalt  }
0x5e: {  	_ =	shalt  }
0x5f: {  	_ =	shalt  }
0x60: {  	_ =	shalt  }
0x61: {  	_ =	shalt  }
0x62: {  	_ =	shalt  }
0x63: {  	_ =	shalt  }
0x64: {  	_ =	shalt  }
0x65: {  	_ =	shalt  }
0x66: {  	_ =	shalt  }
0x67: {  	_ =	shalt  }
0x68: {  	_ =	shalt  }
0x69: {  	_ =	shalt  }
0x6a: {  	_ =	shalt  }
0x6b: {  	_ =	shalt  }
0x6c: {  	_ =	shalt  }
0x6d: {  	_ =	shalt  }
0x6e: {  	_ =	shalt  }
0x6f: {  	_ =	shalt  }
0x70: {  	_ =	shalt  }
0x71: {  	_ =	shalt  }
0x72: {  	_ =	shalt  }
0x73: {  	_ =	shalt  }
0x74: {  	_ =	shalt  }
0x75: {  	_ =	shalt  }
0x76: {  	_ =	shalt  }
0x77: {  	_ =	shalt  }
0x78: {  	_ =	shalt  }
0x79: {  	_ =	shalt  }
0x7a: {  	_ =	shalt  }
0x7b: {  	_ =	shalt  }
0x7c: {  	_ =	shalt  }
0x7d: {  	_ =	shalt  }
0x7e: {  	_ =	shalt  }
0x7f: {  	_ =	shalt  }
0x80: {  	_ =	shalt  }
0x81: {  	_ =	shalt  }
0x82: {  	_ =	shalt  }
0x83: {  	_ =	shalt  }
0x84: {  	_ =	shalt  }
0x85: {  	_ =	shalt  }
0x86: {  	_ =	shalt  }
0x87: {  	_ =	shalt  }
.Lfunc_end0:
.L_simem_size_0:
called_computation_lowered:
.L_overlay_start_0:
0x88: {  	s0 =	sld [smem:$0x3FD9]  }
0x89: {  	s1 =	sld [smem:$0x3FFE];
	_ =	sdelay $0x3  }
0x8a: {  	s0 =	sadd.s32 s1, s0  }
0x8b: {  	[smem:$0x3FC5] =	sst s0  }
0x8c: {  	_ = 	snop  }
0x8d: {  	s0 =	sld [smem:$0x3FC7]  }
0x8e: {  	s16 =	sld [smem:$0x3FD0];
	(tm) =	ssettm $0x1  }
0x8f: {  	s2 =	sld [smem:$0x3FFB];
	_ =	sdelay $0x3  }
0x90: {  	_ =	strace s2  }
0x91: {  	s2 =	sld [smem:$0x3FFC];
	_ =	sdelay $0x3  }
0x92: {  	_ =	strace s2  }
0x93: {  	s2 =	sld [smem:$0x3FFD];
	_ =	sdelay $0x3  }
0x94: {  	_ =	strace s2  }
0x95: {  	_ =	strace $0x8FFFFFFF  }
0x96: {  	s17 =	sld [smem:$0x3FDB];
	_ =	sdelay $0x1  }
0x97: {  	s3 =	simm.s32 $_scs_section_size  }
0x98: {  	s4 =	simm.s32 $_size__tile_overlayer_lowered;
	s5 =	simm.s32 $_tile_overlayer_lowered  }
0x99: {  	s20 =	simm.s32 $0x1BFF;
	s19 =	sshll.u32 s5, $0x1;
	s2 =	sadd.s32 s3, s17  }
0x9a: {  	s6 =	simm.s32 $0x0;
	s18 =	sshll.u32 s4, $0x1;
	s4 =	sadd.s32 s19, s2  }
0x9b: {  	[timem:s6], [sflag:s20] =	dma.local [hbm:s4], s18  }
0x9c: {  	_ =	swait.ge [sflag:s20], s18  }
0x9d: {  	s3 =	ssub.s32 $0x0, s18;
	[sflag:s20] =	ssyncset.done $0x0  }
0x9e: {  	[sflag:s20] =	ssyncadd.s32 s3;
	_ =	sdelay $0x1  }
0x9f: {  	s21 =	simm.s32 $0x1B8B  }
0xa0: {  	_ =	swait.ge [sflag:s21], $0x1  }
0xa1: {  	[sflag:s21] =	ssyncset.done $0x0  }
0xa2: {  	s23 =	simm.s32 $0x1B8E;
	s22 =	sld [smem:$0x3FFE];
	[sflag:s21] =	ssyncadd.s32 $0xFFFFFFFF  }
0xa3: {  	s24 =	simm.s32 $execute0_lowered;
	[smem:$0x3FD2] =	sst s23  }
0xa4: {  	s4 =	sshll.u32 s24, $0x1;
	_ =	strace $0x80000046;
	[dreg:$0x1] =	wrdreg $0xFFFFFFFF  }
0xa5: {  	s25 =	simm.s32 $_size_execute0_lowered;
	s2 =	sadd.s32 s2, s4;
	[dreg:$0x0] =	wrdreg $0x0  }
0xa6: {  	s4 =	sshll.u32 s25, $0x1;
	[dreg:$0x2] =	wrdreg s2  }
0xa7: {  	[dreg:$0x3] =	wrdreg s4  }
0xa8: {  	[dreg:$0x4] =	wrdreg $0xC0  }
0xa9: {  	_ =	task [dreg:s6], $0x5FFFF  }
0xaa: {  	[dreg:$0x1] =	wrdreg $0xFFFFFFFF  }
0xab: {  	[dreg:$0x0] =	wrdreg $0x60  }
0xac: {  	[dreg:$0x2] =	wrdreg s22  }
0xad: {  	[dreg:$0x3] =	wrdreg s0  }
0xae: {  	[dreg:$0x4] =	wrdreg s16  }
0xaf: {  	[dreg:$0x5] =	wrdreg $0x9  }
0xb0: {  	_ =	task.clear_ibuf [dreg:s6], $0x6FFFF;
	_ =	strace $0x90000046  }
0xb1: {  	s26 =	simm.s32 $0x9;
	_ =	strace $0x80000048  }
0xb2: {  	_ =	swait.ge [sflag:s26], $0x1  }
0xb3: {  	[sflag:s26] =	ssyncadd.s32 $0xFFFFFFFF  }
0xb4: {  	_ =	strace $0x90000048  }
0xb5: {  	_ =	sfence  }
0xb6: {  	s28 =	sld [smem:$0x0];
	_ =	sdelay $0x1  }
0xb7: {  	s29 =	srdreg.scid  }
0xb8: {  	s30 =	sshll.u32 s29, $0xD;
	s31 =	sshrl.u32 s29, $0x2  }
0xb9: {  	s1 =	sand.u32 $0x1, s29;
	s2 =	sand.u32 $0x4000, s30;
	s0 =	sadd.s32 s31, s28  }
0xba: {  	s1 =	sor.u32 s2, s1;
	s0 =	sshll.u32 s0, $0x11  }
0xbb: {  	s0 =	sor.u32 s0, s1  }
0xbc: {  	s0 =	sadd.s32 $0x8F2B, s0  }
0xbd: {  	[sflag:s0] =	ssyncadd.remote.s32 $0x1  }
0xbe: {  	_ =	sfence.sel $0xFFFF  }
0xbf: {  	[dreg:$0x0] =	wrdreg $0xFFFFFFFF;
	(pc) =	sbr.abs _section_cstart, $3  }
0xc0: {  	[dreg:$0x1] =	wrdreg $0xFFFFFFFF  }
0xc1: {  	_ =	task.clear_ibuf [dreg:s6], $0x2FFFF;
	_ =	strace $0x9FFFFFFF  }
0xc2: {  	(tm) =	ssettm $0x7FFFFFFF  }
0xc3: {  	_ =	shalt  }
tec
execute0_lowered:
.L_overlay_start_1:
0x0: {  	(tag) =	ssettag $0x1  }
0x1: {  	s5 =	rddreg [dreg:$0x0]  }
0x2: {  	s6 =	rddreg [dreg:$0x1]  }
0x3: {  	s2 =	rddreg [dreg:$0x2]  }
0x4: {  	s0 =	rddreg [dreg:$0x3];
	s4 =	simm.s32 $0x0  }
0x5: {  	s1 =	stileid.u32;
	s3 =	simm.s32 $0x8000;
	[smem:$0x7FF] =	sst s4  }
0x6: {  	s25 =	simm.s32 $0x1;
	s7 =	smul.u32 $0x900, s1;
	_ =	strace $0x80000047  }
0x7: {  	[tilespmem:s3], [sflag:$0x1] =	stream.linear.gather [hbm4b:s6+s4], $0x80, $0x38;
	[tilespmem:$0x8080] =	vst v63  }
0x8: {  	s26 =	simm.s32 $0x2000;
	s8 =	simm.s32 $0x2400;
	_ =	swait.ge [sflag:s25], $0x80  }
0x9: {  	s28 =	simm.s32 $0x0;
	s5 =	sadd.s32 s7, s5;
	[sflag:s25] =	ssyncset.done $0x0  }
0xa: {  	s30 =	simm.s32 $0x0;
	s5 =	sadd.s32 $0xA00, s5;
	[sflag:s25] =	ssyncadd.s32 $0xFFFFFF80  }
0xb: {  	[tilespmem:s4], [sflag:$0x1] =	stream.strided.gather [hbm4b:s5+s26], $0x4000, s8, s26, $0x38;
	[tilespmem:$0x8080] =	vst v63  }
0xc: {  	s29 =	sand.u32 $0x1C00, s4;
	s5 =	sand.u32 $0x2000, s28;
	_ =	swait.ge [sflag:s25], $0x4000  }
0xd: {  	s31 =	sand.u32 $0x380, s30;
	s5 =	sor.u32 s29, s5;
	[sflag:s25] =	ssyncset.done $0x0  }
0xe: {  	s5 =	sor.u32 s31, s5;
	[sflag:s25] =	ssyncadd.s32 $0xFFFFC000  }
0xf: {  	v3 =	vld [tilespmem:s5+$0x70]  }
0x10: {  	v5 =	vld [tilespmem:s5+$0x0]  }
0x11: {  	v8 =	vld [tilespmem:s5+$0x10]  }
0x12: {  	v6 =	vld [tilespmem:s5+$0x20]  }
0x13: {  	v4 =	vld [tilespmem:s5+$0x30]  }
0x14: {  	v2 =	vld [tilespmem:s5+$0x40]  }
0x15: {  	v1 =	vld [tilespmem:s5+$0x50]  }
0x16: {  	v0 =	vld [tilespmem:s5+$0x60]  }
0x17: {  	v7 =	vld.idx.msk [tilespmem:v3+s3+$0x0], $0xffff  }
0x18: {  	v5 =	vld.idx.msk [tilespmem:v5+s3+$0x0], $0xffff  }
0x19: {  	s6 =	simm.s32 $0x0;
	v3 =	vld.idx.msk [tilespmem:v8+s3+$0x0], $0xffff  }
.LBB2_1:
0x1a: {  	s6 =	sadd.s32 $0x8, s6;
	v6 =	vld.idx.msk [tilespmem:v6+s3+$0x0], $0xffff  }
0x1b: {  	s4 =	sadd.s32 $0x400, s4;
	s7 =	sshll.u32 s6, $0x4;
	p0 =	slt.u32 s6, $0x3F8;
	v4 =	vld.idx.msk [tilespmem:v4+s3+$0x0], $0xffff  }
0x1c: {  	s8 =	sand.u32 $0x1C00, s4;
	s9 =	sshll.u32 s6, $0x1;
	s7 =	sand.u32 $0x2000, s7;
	v2 =	vld.idx.msk [tilespmem:v2+s3+$0x0], $0xffff  }
0x1d: {  	s7 =	sor.u32 s8, s7;
	s8 =	sand.u32 $0x380, s9;
	v1 =	vld.idx.msk [tilespmem:v1+s3+$0x0], $0xffff;
	[tilespmem:s5+$0x4070] =	vst v7  }
0x1e: {  	s7 =	sor.u32 s8, s7;
	[tilespmem:s5+$0x4000] =	vst v5;
	v0 =	vld.idx.msk [tilespmem:v0+s3+$0x0], $0xffff  }
0x1f: {  	v5 =	vld [tilespmem:s7+$0x70];
	[tilespmem:s5+$0x4010] =	vst v3  }
0x20: {  	v3 =	vld [tilespmem:s7+$0x0];
	[tilespmem:s5+$0x4020] =	vst v6  }
0x21: {  	v8 =	vld [tilespmem:s7+$0x10];
	[tilespmem:s5+$0x4030] =	vst v4  }
0x22: {  	v6 =	vld [tilespmem:s7+$0x20];
	[tilespmem:s5+$0x4040] =	vst v2  }
0x23: {  	v4 =	vld [tilespmem:s7+$0x30];
	[tilespmem:s5+$0x4050] =	vst v1  }
0x24: {  	v2 =	vld [tilespmem:s7+$0x40];
	[tilespmem:s5+$0x4060] =	vst v0;
	s5 =	smov.u32 s7  }
.Ltmp0:
0x25: {  	v1 =	vld [tilespmem:s5+$0x50];
	(pc) =	sbr.rel @p0 .LBB2_1-.Ltmp0, $4  }
0x26: {  	v0 =	vld [tilespmem:s5+$0x60]  }
0x27: {  	v7 =	vld.idx.msk [tilespmem:v5+s3+$0x0], $0xffff  }
0x28: {  	v5 =	vld.idx.msk [tilespmem:v3+s3+$0x0], $0xffff  }
0x29: {  	v3 =	vld.idx.msk [tilespmem:v8+s3+$0x0], $0xffff  }
0x2a: {  	_ =	sdelay $0x3  }
0x2b: {  	v6 =	vld.idx.msk [tilespmem:v6+s3+$0x0], $0xffff  }
0x2c: {  	v4 =	vld.idx.msk [tilespmem:v4+s3+$0x0], $0xffff  }
0x2d: {  	v2 =	vld.idx.msk [tilespmem:v2+s3+$0x0], $0xffff;
	[tilespmem:s5+$0x4070] =	vst v7  }
0x2e: {  	v1 =	vld.idx.msk [tilespmem:v1+s3+$0x0], $0xffff;
	[tilespmem:s5+$0x4000] =	vst v5  }
0x2f: {  	v0 =	vld.idx.msk [tilespmem:v0+s3+$0x0], $0xffff;
	[tilespmem:s5+$0x4010] =	vst v3  }
0x30: {  	[tilespmem:s5+$0x4020] =	vst v6  }
0x31: {  	[tilespmem:s5+$0x4030] =	vst v4  }
0x32: {  	[tilespmem:s5+$0x4040] =	vst v2  }
0x33: {  	s29 =	sshll.u32 s1, $0xB;
	s30 =	simm.s32 $0x0;
	[tilespmem:s5+$0x4050] =	vst v1  }
0x34: {  	s4 =	simm.s32 $0x4000;
	s31 =	simm.s32 $0x1;
	s2 =	sadd.s32 s2, s29;
	[tilespmem:s5+$0x4060] =	vst v0  }
0x35: {  	[hbm4b:s2+s30] =	stream.linear.scatter [tilespmem:s4], [sflag:$0x1], $0x4000, $0x38;
	[tilespmem:$0x8080] =	vst v63  }
0x36: {  	_ =	swait.ge [sflag:s31], $0x4000  }
0x37: {  	[sflag:s31] =	ssyncset.done $0x0  }
0x38: {  	[sflag:s31] =	ssyncadd.s32 $0xFFFFC000  }
0x39: {  	_ =	sfence.sel $0x180000  }
0x3a: {  	[bflag:$0x0] =	sbarrier.arrive $0xFFFF  }
0x3b: {  	p0 =	sne.s32 s1, $0x0;
	_ =	strace $0x90000047  }
0x3c: {  	s0 =	sadd.s32 @!p0 $0x100000, s0;
	[bflag:$0x2] =	sbarrier.arrive $0xFFFF  }
0x3d: {  	[sflag:s0] =	ssyncadd.tile.s32 @!p0 $0x1;
	_ =	shalt  }
.Lfunc_end2:
_tile_overlayer_lowered:
.L_overlay_start_2:
0x3e: {  	(tag) =	ssettag $0x2  }
0x3f: {  	s0 =	rddreg [dreg:$0x0];
	s2 =	stileid.u32  }
0x40: {  	s1 =	rddreg [dreg:$0x1];
	p0 =	sne.s32 s2, $0x0  }
0x41: {  	s3 =	rddreg [dreg:$0x2];
	[bflag:$0x3] =	sbarrier.arrive $0xFFFF;
	s2 =	simm.s32 @!p0 $0x1C01  }
0x42: {  	[timem:s3], [sflag:s2] =	dma.local @!p0 [hbm:s0], s1  }
0x43: {  	s0 =	simm.s32 @!p0 $0x1  }
0x44: {  	_ =	swait.ge @!p0 [sflag:s0], s1  }
0x45: {  	s1 =	ssub.s32 @!p0 $0x0, s1;
	[sflag:s0] =	ssyncset.done @!p0 $0x0  }
0x46: {  	[sflag:s0] =	ssyncadd.s32 @!p0 s1  }
0x47: {  	[bflag:$0x3] =	sbarrier.arrive $0xFFFF  }
0x48: {  	_ =	shalt  }

</sc_bundles>
